<compile_context>
chip_gen: v7x
topology: tpu7x:2x2x1
jax: 0.10.2.dev20260603
libtpu: 0.0.44.dev20260713+nightly
codegen_flags: <defaults>
</compile_context>

<pallas_src>
import functools

import jax
import jax.numpy as jnp
from jax import lax
from jax.experimental import pallas as pl
from jax.experimental.pallas import tpu as pltpu
from jax.experimental.pallas import tpu_sc as plsc

_B, _S, _D, _FF, _E = 1, 2048, 1024, 4096, 8
_FT = 1024
_NFT = _FF // _FT
_BLK = 1024
_SUB = 256
_NBLK = 12
_NROWS = _NBLK * _BLK

_RB = 512
_NRB = _S // _RB

_NC, _NS = 2, 16
_NW = _NC * _NS
_TPW = _S // _NW


def _route_body(x_ref, gate_ref, tril_ref, triu_ref,
                logits_ref, topw_ref, rp0_ref, rp1_ref, meta_ref):
    logits = jnp.dot(x_ref[...], gate_ref[...],
                     preferred_element_type=jnp.float32)
    logits_ref[...] = logits
    probs = jax.nn.softmax(logits, axis=-1)
    idx = jax.lax.broadcasted_iota(jnp.int32, probs.shape, 1)
    m1 = jnp.max(probs, axis=-1, keepdims=True)
    i1 = jnp.min(jnp.where(probs == m1, idx, _E), axis=-1, keepdims=True)
    masked = jnp.where(idx == i1, -1.0, probs)
    m2 = jnp.max(masked, axis=-1, keepdims=True)
    i2 = jnp.min(jnp.where(masked == m2, idx, _E), axis=-1, keepdims=True)
    s = m1 + m2
    topw_ref[...] = jnp.concatenate([m1 / s, m2 / s], axis=1)

    sel = (idx == i1) | (idx == i2)
    selb = sel.astype(jnp.bfloat16)
    cexc = jnp.dot(tril_ref[...], selb,
                   preferred_element_type=jnp.float32).astype(jnp.int32)
    g = jnp.sum(sel.astype(jnp.int32), axis=0, keepdims=True)
    nblk = (g + _BLK - 1) // _BLK
    bstart = jnp.dot(nblk.astype(jnp.bfloat16), triu_ref[...],
                     preferred_element_type=jnp.float32).astype(jnp.int32)
    base = bstart * _BLK + cexc
    rp0_ref[...] = jnp.sum(jnp.where(idx == i1, base, 0), axis=1,
                           keepdims=True)
    rp1_ref[...] = jnp.sum(jnp.where(idx == i2, base, 0), axis=1,
                           keepdims=True)

    used = jnp.sum(nblk, axis=1, keepdims=True)
    jl = jax.lax.broadcasted_iota(jnp.int32, (1, _NBLK), 1)
    jj = jnp.minimum(jl, used - 1)
    eb = -jnp.ones((1, _NBLK), jnp.int32)
    for e in range(_E):
        eb = eb + (jj >= bstart[:, e:e + 1]).astype(jnp.int32)
    gb = jnp.zeros((1, _NBLK), jnp.int32)
    bb = jnp.zeros((1, _NBLK), jnp.int32)
    for e in range(_E):
        one = (eb == e).astype(jnp.int32)
        gb = gb + one * g[:, e:e + 1]
        bb = bb + one * bstart[:, e:e + 1]
    rib = jnp.where(jl < used,
                    jnp.clip(gb - (jj - bb) * _BLK, 0, _BLK), 0)
    meta_ref[0:1, :] = eb
    meta_ref[1:2, :] = jj
    meta_ref[2:3, :] = rib


def _route(x, gate_w):
    tril = jnp.tril(jnp.ones((_S, _S), jnp.bfloat16), -1)
    triu = jnp.triu(jnp.ones((_E, _E), jnp.bfloat16), 1)
    return pl.pallas_call(
        _route_body,
        grid=(1,),
        in_specs=[
            pl.BlockSpec((_S, _D), lambda i: (0, 0)),
            pl.BlockSpec((_D, _E), lambda i: (0, 0)),
            pl.BlockSpec((_S, _S), lambda i: (0, 0)),
            pl.BlockSpec((_E, _E), lambda i: (0, 0)),
        ],
        out_specs=[
            pl.BlockSpec((_S, _E), lambda i: (0, 0)),
            pl.BlockSpec((_S, 2), lambda i: (0, 0)),
            pl.BlockSpec((_S, 1), lambda i: (0, 0)),
            pl.BlockSpec((_S, 1), lambda i: (0, 0)),
            pl.BlockSpec((3, _NBLK), lambda i: (0, 0)),
        ],
        out_shape=[
            jax.ShapeDtypeStruct((_S, _E), jnp.float32),
            jax.ShapeDtypeStruct((_S, 2), jnp.float32),
            jax.ShapeDtypeStruct((_S, 1), jnp.int32),
            jax.ShapeDtypeStruct((_S, 1), jnp.int32),
            jax.ShapeDtypeStruct((3, _NBLK), jnp.int32),
        ],
    )(x, gate_w, tril, triu)


def _sc_mesh():
    return plsc.VectorSubcoreMesh(core_axis_name="c", subcore_axis_name="s")


@jax.jit
def _sc_dispatch(x, idx3):
    @functools.partial(
        pl.kernel,
        out_type=jax.ShapeDtypeStruct((_NROWS, _D), jnp.float32),
        mesh=_sc_mesh(),
        scratch_types=[
            pltpu.VMEM((_TPW,), jnp.int32),
            pltpu.VMEM((_TPW,), jnp.int32),
            pltpu.VMEM((_TPW, _D), jnp.float32),
            pltpu.SemaphoreType.DMA,
        ],
    )
    def body(x_hbm, idx_hbm, out_hbm, idxa_v, idxb_v, rows_v, sem):
        wid = lax.axis_index("s") * _NC + lax.axis_index("c")
        base = wid * _TPW
        pltpu.sync_copy(idx_hbm.at[wid, 0], idxa_v)
        pltpu.sync_copy(idx_hbm.at[wid, 1], idxb_v)
        pltpu.async_copy(x_hbm.at[pl.ds(base, _TPW)], rows_v, sem).wait()
        pltpu.async_copy(rows_v, out_hbm.at[idxa_v], sem).wait()
        pltpu.async_copy(rows_v, out_hbm.at[idxb_v], sem).wait()

    return body(x, idx3)


def _mlp_body(meta_ref, xs_ref, w1_ref, w3_ref, w2_ref,
              ys_ref, acc_ref):
    j = pl.program_id(0)
    f = pl.program_id(1)
    nrows = meta_ref[2, j]

    @pl.when(nrows > 0)
    def _():
        w1 = w1_ref[0].astype(jnp.bfloat16)
        w3 = w3_ref[0].astype(jnp.bfloat16)
        w2 = w2_ref[0].astype(jnp.bfloat16)

        def subtile(s):
            rows = pl.ds(s * _SUB, _SUB)
            xb = xs_ref[rows, :].astype(jnp.bfloat16)
            g = jnp.dot(xb, w1, preferred_element_type=jnp.float32)
            u = jnp.dot(xb, w3, preferred_element_type=jnp.float32)
            h = (g * jax.nn.sigmoid(g)) * u
            y = jnp.dot(h.astype(jnp.bfloat16), w2,
                        preferred_element_type=jnp.float32)

            @pl.when(f == 0)
            def _():
                acc_ref[rows, :] = y

            @pl.when((f != 0) & (f != _NFT - 1))
            def _():
                acc_ref[rows, :] += y

            @pl.when(f == _NFT - 1)
            def _():
                ys_ref[rows, :] = acc_ref[rows, :] + y

        subtile(0)
        for s in range(1, _BLK // _SUB):
            @pl.when(nrows > s * _SUB)
            def _(s=s):
                subtile(s)


def _mlp(xs, w1, w3, w2, meta):
    grid_spec = pltpu.PrefetchScalarGridSpec(
        num_scalar_prefetch=1,
        grid=(_NBLK, _NFT),
        in_specs=[
            pl.BlockSpec((_BLK, _D), lambda j, f, meta: (meta[1, j], 0)),
            pl.BlockSpec(
                (1, _D, _FT),
                lambda j, f, meta:
                    (meta[0, j], 0, jnp.where(meta[2, j] > 0, f, _NFT - 1))),
            pl.BlockSpec(
                (1, _D, _FT),
                lambda j, f, meta:
                    (meta[0, j], 0, jnp.where(meta[2, j] > 0, f, _NFT - 1))),
            pl.BlockSpec(
                (1, _FT, _D),
                lambda j, f, meta:
                    (meta[0, j], jnp.where(meta[2, j] > 0, f, _NFT - 1), 0)),
        ],
        out_specs=pl.BlockSpec((_BLK, _D), lambda j, f, meta: (meta[1, j], 0)),
        scratch_shapes=[pltpu.VMEM((_BLK, _D), jnp.float32)],
    )
    return pl.pallas_call(
        _mlp_body,
        grid_spec=grid_spec,
        out_shape=jax.ShapeDtypeStruct((_NROWS, _D), jnp.float32),
    )(meta, xs, w1, w3, w2)


@jax.jit
def _sc_combine_gather(ys, idx3):
    @functools.partial(
        pl.kernel,
        out_type=jax.ShapeDtypeStruct((2, _S, _D), jnp.float32),
        mesh=_sc_mesh(),
        scratch_types=[
            pltpu.VMEM((_TPW,), jnp.int32),
            pltpu.VMEM((_TPW,), jnp.int32),
            pltpu.VMEM((_TPW, _D), jnp.float32),
            pltpu.SemaphoreType.DMA,
        ],
    )
    def body(ys_hbm, idx_hbm, out_hbm, idxa_v, idxb_v, rows_v, sem):
        wid = lax.axis_index("s") * _NC + lax.axis_index("c")
        base = wid * _TPW
        pltpu.sync_copy(idx_hbm.at[wid, 0], idxa_v)
        pltpu.sync_copy(idx_hbm.at[wid, 1], idxb_v)
        pltpu.async_copy(ys_hbm.at[idxa_v], rows_v, sem).wait()
        pltpu.async_copy(rows_v, out_hbm.at[0, pl.ds(base, _TPW)], sem).wait()
        pltpu.async_copy(ys_hbm.at[idxb_v], rows_v, sem).wait()
        pltpu.async_copy(rows_v, out_hbm.at[1, pl.ds(base, _TPW)], sem).wait()

    return body(ys, idx3)


def _combine_body(ya_ref, yb_ref, topw_ref, out_ref):
    w = topw_ref[...]
    out_ref[...] = w[:, 0:1] * ya_ref[0] + w[:, 1:2] * yb_ref[0]


def _combine(yab, topw):
    return pl.pallas_call(
        _combine_body,
        grid=(_NRB,),
        in_specs=[
            pl.BlockSpec((1, _RB, _D), lambda rb: (0, rb, 0)),
            pl.BlockSpec((1, _RB, _D), lambda rb: (1, rb, 0)),
            pl.BlockSpec((_RB, 2), lambda rb: (rb, 0)),
        ],
        out_specs=pl.BlockSpec((_RB, _D), lambda rb: (rb, 0)),
        out_shape=jax.ShapeDtypeStruct((_S, _D), jnp.float32),
    )(yab, yab, topw)


def kernel(hidden_states, gate_w, w1, w3, w2):
    x = hidden_states.reshape(-1, _D)
    logits, topw, rp0, rp1, meta = _route(x, gate_w)
    idx3 = jnp.stack([rp0.reshape(_NW, _TPW), rp1.reshape(_NW, _TPW)], axis=1)
    xs = _sc_dispatch(x, idx3)
    ys = _mlp(xs, w1, w3, w2, meta)
    yab = _sc_combine_gather(ys, idx3)
    final = _combine(yab, topw)
    return final.reshape(_B, _S, _D), logits

# --- scband reference (transcript-rebuilt; emitter-appended) ---
"""Pipeline reference for scband-sparse-moe-wrapper-18279380812579 (READ-ONLY COPY).

The authoritative reference and input builder live on the scoring server;
editing this copy changes nothing except your own understanding.
"""

import jax, jax.numpy as jnp
import numpy as np

B, S, D, FF, E, TOPK = 1, 2048, 1024, 4096, 8, 2

def setup_inputs(seed: int = 0) -> dict:
    key = jax.random.key(seed)
    k0, k1, k2, k3, k4 = jax.random.split(key, 5)
    hidden_states = jax.random.normal(k0, (B, S, D), dtype=jnp.float32)
    gate_w = jax.random.normal(k1, (D, E), dtype=jnp.float32) * 0.02
    w1 = jax.random.normal(k2, (E, D, FF), dtype=jnp.float32) * 0.02
    w3 = jax.random.normal(k3, (E, D, FF), dtype=jnp.float32) * 0.02
    w2 = jax.random.normal(k4, (E, FF, D), dtype=jnp.float32) * 0.02
    return {"hidden_states": hidden_states, "gate_w": gate_w, "w1": w1, "w3": w3, "w2": w2}

def reference(hidden_states, gate_w, w1, w3, w2):
    # TOP-K routing path of SparseMoeWrapper.forward
    b, s, d = hidden_states.shape
    x = hidden_states.reshape(-1, d)  # [T, D]
    T = x.shape[0]
    router_logits = x @ gate_w  # [T, E]
    routing_weights = jax.nn.softmax(router_logits.astype(jnp.float32), axis=1)
    top_w, top_i = jax.lax.top_k(routing_weights, TOPK)  # [T, k]
    top_w = top_w / jnp.sum(top_w, axis=-1, keepdims=True)
    top_w = top_w.astype(x.dtype)
    # dense per-expert combine weights (0 for unselected) == scatter of routing weights
    full_w = jnp.zeros((T, E), dtype=x.dtype).at[jnp.arange(T)[:, None], top_i].add(top_w)
    final = jnp.zeros((T, d), dtype=x.dtype)
    for e in range(E):
        # Mixtral-style expert MLP: down(silu(gate(x)) * up(x))
        h = jax.nn.silu(x @ w1[e]) * (x @ w3[e])
        y = h @ w2[e]
        final = final + full_w[:, e:e + 1] * y
    return final.reshape(b, s, d), router_logits

if __name__ == "__main__":
    import jax
    _d = setup_inputs()
    print(jax.jit(kernel)(*tuple(_d.values())))

</pallas_src>

<mosaic_0001>
#map = affine_map<(d0, d1) -> (0, 0)>
#map1 = affine_map<(d0, d1) -> (0, 0, 0)>
module attributes {stable_mosaic.version = 14 : i64} {
  func.func @body(%arg0: i32, %arg1: i32, %arg2: memref<2048x1024xf32, #tpu.memory_space<hbm>>, %arg3: memref<32x2x64xi32, #tpu.memory_space<hbm>>, %arg4: memref<12288x1024xf32, #tpu.memory_space<hbm>>, %arg5: memref<64xi32, #tpu.memory_space<vmem>>, %arg6: memref<64xi32, #tpu.memory_space<vmem>>, %arg7: memref<64x1024xf32, #tpu.memory_space<vmem>>, %arg8: memref<!tpu.dma_semaphore, #tpu.memory_space<semaphore_mem>>) attributes {dimension_semantics = [#tpu.dimension_semantics<core_parallel>, #tpu.dimension_semantics<subcore_parallel>], iteration_bounds = array<i64: 2, 16>, scalar_prefetch = 0 : i64, scratch_operands = 4 : i64, tpu.core_type = #tpu.core_type<sc_vector_subcore>, window_params = [{transform_indices = #map}, {transform_indices = #map1}, {transform_indices = #map}]} {
    %mul3A = arith.constant 2 : i32
    %mul3A_0 = arith.muli %arg1, %mul3A : i32
    %add3A = arith.addi %mul3A_0, %arg0 : i32
    %mul3A_1 = arith.constant 64 : i32
    %mul3A_2 = arith.muli %add3A, %mul3A_1 : i32
    %run_scoped3A = arith.constant 0 : i32
    "tpu.region"() ({
      %run_scoped3A_22 = tpu.sem_alloc : memref<!tpu.dma_semaphore, #tpu.memory_space<semaphore_mem>>
      %dma_start3A_23 = arith.constant 0 : i32
      %dma_start3A_24 = tpu.memref_slice %arg3[%add3A, %run_scoped3A, %dma_start3A_23] : memref<32x2x64xi32, #tpu.memory_space<hbm>> -> memref<1x1x64xi32, #tpu.memory_space<hbm>>
      %dma_start3A_25 = tpu.memref_squeeze %dma_start3A_24 : memref<1x1x64xi32, #tpu.memory_space<hbm>> -> memref<64xi32, #tpu.memory_space<hbm>>
      %dma_start3A_26 = arith.constant 0 : i32
      %dma_start3A_27 = tpu.memref_slice %arg3[%add3A, %run_scoped3A, %dma_start3A_26] : memref<32x2x64xi32, #tpu.memory_space<hbm>> -> memref<1x1x64xi32, #tpu.memory_space<hbm>>
      %dma_start3A_28 = tpu.memref_squeeze %dma_start3A_27 : memref<1x1x64xi32, #tpu.memory_space<hbm>> -> memref<64xi32, #tpu.memory_space<hbm>>
      tpu.enqueue_dma source(%dma_start3A_28 : memref<64xi32, #tpu.memory_space<hbm>>) target(%arg5 : memref<64xi32, #tpu.memory_space<vmem>>) target_semaphore(%run_scoped3A_22 : memref<!tpu.dma_semaphore, #tpu.memory_space<semaphore_mem>>)
      %dma_wait3A_29 = arith.constant 0 : i32
      %dma_wait3A_30 = tpu.memref_slice %arg3[%add3A, %run_scoped3A, %dma_wait3A_29] : memref<32x2x64xi32, #tpu.memory_space<hbm>> -> memref<1x1x64xi32, #tpu.memory_space<hbm>>
      %dma_wait3A_31 = tpu.memref_squeeze %dma_wait3A_30 : memref<1x1x64xi32, #tpu.memory_space<hbm>> -> memref<64xi32, #tpu.memory_space<hbm>>
      %dma_wait3A_32 = arith.constant 0 : i32
      %dma_wait3A_33 = tpu.memref_slice %arg3[%add3A, %run_scoped3A, %dma_wait3A_32] : memref<32x2x64xi32, #tpu.memory_space<hbm>> -> memref<1x1x64xi32, #tpu.memory_space<hbm>>
      %dma_wait3A_34 = tpu.memref_squeeze %dma_wait3A_33 : memref<1x1x64xi32, #tpu.memory_space<hbm>> -> memref<64xi32, #tpu.memory_space<hbm>>
      tpu.wait_dma2 semaphore(%run_scoped3A_22 : memref<!tpu.dma_semaphore, #tpu.memory_space<semaphore_mem>>) src(%dma_wait3A_34 : memref<64xi32, #tpu.memory_space<hbm>>) dst(%arg5 : memref<64xi32, #tpu.memory_space<vmem>>)
      tpu.yield
    }) : () -> ()
    %run_scoped3A_3 = arith.constant 1 : i32
    "tpu.region"() ({
      %run_scoped3A_22 = tpu.sem_alloc : memref<!tpu.dma_semaphore, #tpu.memory_space<semaphore_mem>>
      %dma_start3A_23 = arith.constant 0 : i32
      %dma_start3A_24 = tpu.memref_slice %arg3[%add3A, %run_scoped3A_3, %dma_start3A_23] : memref<32x2x64xi32, #tpu.memory_space<hbm>> -> memref<1x1x64xi32, #tpu.memory_space<hbm>>
      %dma_start3A_25 = tpu.memref_squeeze %dma_start3A_24 : memref<1x1x64xi32, #tpu.memory_space<hbm>> -> memref<64xi32, #tpu.memory_space<hbm>>
      %dma_start3A_26 = arith.constant 0 : i32
      %dma_start3A_27 = tpu.memref_slice %arg3[%add3A, %run_scoped3A_3, %dma_start3A_26] : memref<32x2x64xi32, #tpu.memory_space<hbm>> -> memref<1x1x64xi32, #tpu.memory_space<hbm>>
      %dma_start3A_28 = tpu.memref_squeeze %dma_start3A_27 : memref<1x1x64xi32, #tpu.memory_space<hbm>> -> memref<64xi32, #tpu.memory_space<hbm>>
      tpu.enqueue_dma source(%dma_start3A_28 : memref<64xi32, #tpu.memory_space<hbm>>) target(%arg6 : memref<64xi32, #tpu.memory_space<vmem>>) target_semaphore(%run_scoped3A_22 : memref<!tpu.dma_semaphore, #tpu.memory_space<semaphore_mem>>)
      %dma_wait3A_29 = arith.constant 0 : i32
      %dma_wait3A_30 = tpu.memref_slice %arg3[%add3A, %run_scoped3A_3, %dma_wait3A_29] : memref<32x2x64xi32, #tpu.memory_space<hbm>> -> memref<1x1x64xi32, #tpu.memory_space<hbm>>
      %dma_wait3A_31 = tpu.memref_squeeze %dma_wait3A_30 : memref<1x1x64xi32, #tpu.memory_space<hbm>> -> memref<64xi32, #tpu.memory_space<hbm>>
      %dma_wait3A_32 = arith.constant 0 : i32
      %dma_wait3A_33 = tpu.memref_slice %arg3[%add3A, %run_scoped3A_3, %dma_wait3A_32] : memref<32x2x64xi32, #tpu.memory_space<hbm>> -> memref<1x1x64xi32, #tpu.memory_space<hbm>>
      %dma_wait3A_34 = tpu.memref_squeeze %dma_wait3A_33 : memref<1x1x64xi32, #tpu.memory_space<hbm>> -> memref<64xi32, #tpu.memory_space<hbm>>
      tpu.wait_dma2 semaphore(%run_scoped3A_22 : memref<!tpu.dma_semaphore, #tpu.memory_space<semaphore_mem>>) src(%dma_wait3A_34 : memref<64xi32, #tpu.memory_space<hbm>>) dst(%arg6 : memref<64xi32, #tpu.memory_space<vmem>>)
      tpu.yield
    }) : () -> ()
    %dma_start3A = arith.constant 0 : i32
    %dma_start3A_4 = tpu.memref_slice %arg2[%mul3A_2, %dma_start3A] : memref<2048x1024xf32, #tpu.memory_space<hbm>> -> memref<64x1024xf32, #tpu.memory_space<hbm>>
    %dma_start3A_5 = arith.constant 0 : i32
    %dma_start3A_6 = tpu.memref_slice %arg2[%mul3A_2, %dma_start3A_5] : memref<2048x1024xf32, #tpu.memory_space<hbm>> -> memref<64x1024xf32, #tpu.memory_space<hbm>>
    tpu.enqueue_dma source(%dma_start3A_6 : memref<64x1024xf32, #tpu.memory_space<hbm>>) target(%arg7 : memref<64x1024xf32, #tpu.memory_space<vmem>>) target_semaphore(%arg8 : memref<!tpu.dma_semaphore, #tpu.memory_space<semaphore_mem>>)
    %dma_wait3A = arith.constant 0 : i32
    %dma_wait3A_7 = tpu.memref_slice %arg2[%mul3A_2, %dma_wait3A] : memref<2048x1024xf32, #tpu.memory_space<hbm>> -> memref<64x1024xf32, #tpu.memory_space<hbm>>
    %dma_wait3A_8 = arith.constant 0 : i32
    %dma_wait3A_9 = tpu.memref_slice %arg2[%mul3A_2, %dma_wait3A_8] : memref<2048x1024xf32, #tpu.memory_space<hbm>> -> memref<64x1024xf32, #tpu.memory_space<hbm>>
    tpu.wait_dma2 semaphore(%arg8 : memref<!tpu.dma_semaphore, #tpu.memory_space<semaphore_mem>>) src(%dma_wait3A_9 : memref<64x1024xf32, #tpu.memory_space<hbm>>) dst(%arg7 : memref<64x1024xf32, #tpu.memory_space<vmem>>)
    %dma_start3A_10 = arith.constant 0 : i32
    %dma_start3A_11 = arith.constant 0 : i32
    %dma_start3A_12 = tpu.memref_slice %arg4[%dma_start3A_10, %dma_start3A_11] : memref<12288x1024xf32, #tpu.memory_space<hbm>> -> memref<12288x1024xf32, #tpu.memory_space<hbm>>
    tpu.enqueue_indirect_dma source(%arg7 : memref<64x1024xf32, #tpu.memory_space<vmem>>) target(%dma_start3A_12 : memref<12288x1024xf32, #tpu.memory_space<hbm>>) offsets(%arg5 : memref<64xi32, #tpu.memory_space<vmem>>) semaphore(%arg8 : memref<!tpu.dma_semaphore, #tpu.memory_space<semaphore_mem>>)
    %dma_wait3A_13 = arith.constant 0 : i32
    %dma_wait3A_14 = arith.constant 0 : i32
    %dma_wait3A_15 = tpu.memref_slice %arg4[%dma_wait3A_13, %dma_wait3A_14] : memref<12288x1024xf32, #tpu.memory_space<hbm>> -> memref<12288x1024xf32, #tpu.memory_space<hbm>>
    tpu.wait_indirect_dma semaphore(%arg8 : memref<!tpu.dma_semaphore, #tpu.memory_space<semaphore_mem>>) src(%arg7 : memref<64x1024xf32, #tpu.memory_space<vmem>>) dst(%dma_wait3A_15 : memref<12288x1024xf32, #tpu.memory_space<hbm>>)
    %dma_start3A_16 = arith.constant 0 : i32
    %dma_start3A_17 = arith.constant 0 : i32
    %dma_start3A_18 = tpu.memref_slice %arg4[%dma_start3A_16, %dma_start3A_17] : memref<12288x1024xf32, #tpu.memory_space<hbm>> -> memref<12288x1024xf32, #tpu.memory_space<hbm>>
    tpu.enqueue_indirect_dma source(%arg7 : memref<64x1024xf32, #tpu.memory_space<vmem>>) target(%dma_start3A_18 : memref<12288x1024xf32, #tpu.memory_space<hbm>>) offsets(%arg6 : memref<64xi32, #tpu.memory_space<vmem>>) semaphore(%arg8 : memref<!tpu.dma_semaphore, #tpu.memory_space<semaphore_mem>>)
    %dma_wait3A_19 = arith.constant 0 : i32
    %dma_wait3A_20 = arith.constant 0 : i32
    %dma_wait3A_21 = tpu.memref_slice %arg4[%dma_wait3A_19, %dma_wait3A_20] : memref<12288x1024xf32, #tpu.memory_space<hbm>> -> memref<12288x1024xf32, #tpu.memory_space<hbm>>
    tpu.wait_indirect_dma semaphore(%arg8 : memref<!tpu.dma_semaphore, #tpu.memory_space<semaphore_mem>>) src(%arg7 : memref<64x1024xf32, #tpu.memory_space<vmem>>) dst(%dma_wait3A_21 : memref<12288x1024xf32, #tpu.memory_space<hbm>>)
    return
  }
}

</mosaic_0001>

<sc_bundles>
// kernel: _sc_dispatch.3.cloned.1.call-start
scs
__scs_entry_jumppad:
0x0: {  	(pc) =	sbr.rel $0x88, $3  }
0x1: {  	(tag) =	ssettag $0x0;
	lr =	simm.s32 $0x1  }
0x2: {  	[smem:$0x3F9F] =	sst lr;
	_ =	strace $0xD0000000  }
0x3: {  	_ = 	snop  }
0x4: {  	_ = 	snop  }
0x5: {  	_ = 	snop  }
0x6: {  	_ = 	snop  }
0x7: {  	_ = 	snop  }
__scs_overlays_trampoline_lowered:
0x8: {  	[smem:$0x3FAE] =	sst s0  }
0x9: {  	[smem:$0x3FAF] =	sst s1  }
0xa: {  	[smem:$0x3FB0] =	sst s2  }
0xb: {  	[smem:$0x3FB1] =	sst s3  }
0xc: {  	[smem:$0x3FB2] =	sst s4  }
0xd: {  	[smem:$0x3FB3] =	sst s5  }
0xe: {  	[smem:$0x3FB4] =	sst s6  }
0xf: {  	[smem:$0x3FB5] =	sst s7  }
0x10: {  	[smem:$0x3FB6] =	sst s8  }
0x11: {  	[smem:$0x3FB7] =	sst s9;
	s0 =	simm.s32 @!p0 $0x0  }
0x12: {  	s1 =	sld [smem:$0x3F9D];
	s0 =	simm.s32 @p0 $0x1  }
0x13: {  	[smem:$0x3FB8] =	sst s0;
	s0 =	simm.s32 @!p1 $0x0  }
0x14: {  	s2 =	sld [smem:$0x3F9C];
	s0 =	simm.s32 @p1 $0x1  }
0x15: {  	[smem:$0x3FB9] =	sst s0;
	s0 =	simm.s32 @!p2 $0x0  }
0x16: {  	s3 =	sld [smem:$0x3FDB];
	s0 =	simm.s32 @p2 $0x1  }
0x17: {  	s4 =	simm.s32 $0x1BF5;
	[smem:$0x3FBB] =	sst s0  }
0x18: {  	s0 =	sld [smem:$0x3F9E];
	_ =	swait.ge [sflag:s4], $0x0  }
0x19: {  	s7 =	sld [smem:$0x3F9F]  }
0x1a: {  	s8 =	sadd.s32 $0xFFFFE003, lr  }
0x1b: {  	s9 =	sadd.s32 $0xFFFFFEF7, lr;
	s5 =	simm.s32 $0xFFFFFFFF;
	p2 =	slt.u32 s8, $0xFFFFF086  }
0x1c: {  	p1 =	slt.u32 s9, $0xF7A;
	s5 =	simm.s32 @!p2 $0x0  }
0x1d: {  	s5 =	simm.s32 @p1 $0x1;
	p0 =	seq.s32 s7, s2  }
0x1e: {  	s7 =	smul.u32 @!p0 $0xF7A, s2;
	p2 =	seq.s32 @!p0 s5, $0x0  }
0x1f: {  	s9 =	smul.u32 $0xF7A, s1;
	s8 =	simm.s32 @!p0 $0x1BF5;
	p2 =	por !p2, p0  }
0x20: {  	[sflag:s8] =	ssyncset.s32 @!p0 $0xFFFFF086;
	s6 =	sadd.s32 @!p0 s3, s7;
	s7 =	simm.s32 @!p0 $0x108  }
0x21: {  	s3 =	sadd.s32 s3, s9;
	s6 =	sadd.s32 @!p0 $0x88, s6;
	s7 =	simm.s32 @p2 $0x1082  }
0x22: {  	[simem:s7], [sflag:s8] =	dma.local @!p0 [hbm:s6], $0xF7A  }
0x23: {  	s9 =	sor.u32 $0xD0000000, s2;
	s6 =	simm.s32 $0x108;
	_ =	swait.ge @!p0 [sflag:s8], $0x0  }
0x24: {  	s3 =	sadd.s32 $0x88, s3;
	s6 =	simm.s32 @!p1 $0x1082;
	[sflag:s4] =	ssyncset.s32 $0xFFFFF086  }
0x25: {  	[simem:s6], [sflag:s4] =	dma.local [hbm:s3], $0xF7A  }
0x26: {  	[smem:$0x3F9F] =	sst s1;
	(tag) =	ssettag s2;
	_ =	strace s9  }
0x27: {  	s1 =	sld [smem:$0x3FAF]  }
0x28: {  	s2 =	sld [smem:$0x3FB0]  }
0x29: {  	s4 =	sld [smem:$0x3FB2]  }
0x2a: {  	p0 =	seq.s32 s5, $0x0;
	s5 =	sld [smem:$0x3FB3]  }
0x2b: {  	s6 =	sld [smem:$0x3FB4]  }
0x2c: {  	s7 =	sld [smem:$0x3FB5]  }
0x2d: {  	s3 =	simm.s32 $0x108;
	s8 =	sld [smem:$0x3FB6]  }
0x2e: {  	s3 =	simm.s32 @!p0 $0x1082;
	s9 =	sld [smem:$0x3FB7]  }
0x2f: {  	lr =	sadd.s32 s0, s3;
	s0 =	sld [smem:$0x3FAE]  }
0x30: {  	s3 =	sld [smem:$0x3FB1]  }
0x31: {  	[smem:$0x3FBA] =	sst s10  }
0x32: {  	s10 =	sld [smem:$0x3FB8];
	_ =	sdelay $0x3  }
0x33: {  	p0 =	seq.s32 s10, $0x1;
	s10 =	sld [smem:$0x3FBA];
	_ =	sdelay $0x3  }
0x34: {  	[smem:$0x3FBA] =	sst s10  }
0x35: {  	s10 =	sld [smem:$0x3FB9];
	_ =	sdelay $0x3  }
0x36: {  	p1 =	seq.s32 s10, $0x1;
	s10 =	sld [smem:$0x3FBA];
	_ =	sdelay $0x3  }
0x37: {  	[smem:$0x3FBA] =	sst s10  }
0x38: {  	s10 =	sld [smem:$0x3FBB]  }
0x39: {  	_ = 	snop;
	(pc) =	sbr.ind lr, $3  }
0x3a: {  	_ = 	snop  }
0x3b: {  	_ = 	snop  }
0x3c: {  	p2 =	seq.s32 s10, $0x1;
	s10 =	sld [smem:$0x3FBA]  }
0x3d: {  	_ =	shalt  }
0x3e: {  	_ =	shalt  }
0x3f: {  	_ =	shalt  }
0x40: {  	_ =	shalt  }
0x41: {  	_ =	shalt  }
0x42: {  	_ =	shalt  }
0x43: {  	_ =	shalt  }
0x44: {  	_ =	shalt  }
0x45: {  	_ =	shalt  }
0x46: {  	_ =	shalt  }
0x47: {  	_ =	shalt  }
0x48: {  	_ =	shalt  }
0x49: {  	_ =	shalt  }
0x4a: {  	_ =	shalt  }
0x4b: {  	_ =	shalt  }
0x4c: {  	_ =	shalt  }
0x4d: {  	_ =	shalt  }
0x4e: {  	_ =	shalt  }
0x4f: {  	_ =	shalt  }
0x50: {  	_ =	shalt  }
0x51: {  	_ =	shalt  }
0x52: {  	_ =	shalt  }
0x53: {  	_ =	shalt  }
0x54: {  	_ =	shalt  }
0x55: {  	_ =	shalt  }
0x56: {  	_ =	shalt  }
0x57: {  	_ =	shalt  }
0x58: {  	_ =	shalt  }
0x59: {  	_ =	shalt  }
0x5a: {  	_ =	shalt  }
0x5b: {  	_ =	shalt  }
0x5c: {  	_ =	shalt  }
0x5d: {  	_ =	shalt  }
0x5e: {  	_ =	shalt  }
0x5f: {  	_ =	shalt  }
0x60: {  	_ =	shalt  }
0x61: {  	_ =	shalt  }
0x62: {  	_ =	shalt  }
0x63: {  	_ =	shalt  }
0x64: {  	_ =	shalt  }
0x65: {  	_ =	shalt  }
0x66: {  	_ =	shalt  }
0x67: {  	_ =	shalt  }
0x68: {  	_ =	shalt  }
0x69: {  	_ =	shalt  }
0x6a: {  	_ =	shalt  }
0x6b: {  	_ =	shalt  }
0x6c: {  	_ =	shalt  }
0x6d: {  	_ =	shalt  }
0x6e: {  	_ =	shalt  }
0x6f: {  	_ =	shalt  }
0x70: {  	_ =	shalt  }
0x71: {  	_ =	shalt  }
0x72: {  	_ =	shalt  }
0x73: {  	_ =	shalt  }
0x74: {  	_ =	shalt  }
0x75: {  	_ =	shalt  }
0x76: {  	_ =	shalt  }
0x77: {  	_ =	shalt  }
0x78: {  	_ =	shalt  }
0x79: {  	_ =	shalt  }
0x7a: {  	_ =	shalt  }
0x7b: {  	_ =	shalt  }
0x7c: {  	_ =	shalt  }
0x7d: {  	_ =	shalt  }
0x7e: {  	_ =	shalt  }
0x7f: {  	_ =	shalt  }
0x80: {  	_ =	shalt  }
0x81: {  	_ =	shalt  }
0x82: {  	_ =	shalt  }
0x83: {  	_ =	shalt  }
0x84: {  	_ =	shalt  }
0x85: {  	_ =	shalt  }
0x86: {  	_ =	shalt  }
0x87: {  	_ =	shalt  }
.Lfunc_end0:
.L_simem_size_0:
called_computation_lowered:
.L_overlay_start_0:
0x88: {  	s2 =	sld [smem:$0x3FD9]  }
0x89: {  	s3 =	sld [smem:$0x3FFE];
	_ =	sdelay $0x1  }
0x8a: {  	s1 =	srdreg.scid  }
0x8b: {  	s0 =	sand.u32 $0x1, s1  }
0x8c: {  	s18 =	sshll.u32 s0, $0xA;
	s2 =	sadd.s32 s3, s2  }
0x8d: {  	s2 =	sadd.s32 s2, s18  }
0x8e: {  	[smem:$0x3FC6] =	sst s2  }
0x8f: {  	_ = 	snop  }
0x90: {  	s2 =	sld [smem:$0x3FC9]  }
0x91: {  	s19 =	sld [smem:$0x3FC8]  }
0x92: {  	s4 =	sld [smem:$0x3FD0];
	(tm) =	ssettm $0x1  }
0x93: {  	s5 =	sld [smem:$0x3FFB];
	_ =	sdelay $0x3  }
0x94: {  	_ =	strace s5  }
0x95: {  	s5 =	sld [smem:$0x3FFC];
	_ =	sdelay $0x3  }
0x96: {  	_ =	strace s5  }
0x97: {  	s5 =	sld [smem:$0x3FFD];
	_ =	sdelay $0x3  }
0x98: {  	_ =	strace s5  }
0x99: {  	_ =	strace $0x8FFFFFFF  }
0x9a: {  	s20 =	sld [smem:$0x3FDB];
	_ =	sdelay $0x1  }
0x9b: {  	s6 =	simm.s32 $_scs_section_size  }
0x9c: {  	s7 =	simm.s32 $_size__tile_overlayer_lowered;
	s8 =	simm.s32 $_tile_overlayer_lowered  }
0x9d: {  	s23 =	simm.s32 $0x1BFF;
	s22 =	sshll.u32 s8, $0x1;
	s5 =	sadd.s32 s6, s20  }
0x9e: {  	s9 =	simm.s32 $0x0;
	s21 =	sshll.u32 s7, $0x1;
	s7 =	sadd.s32 s22, s5  }
0x9f: {  	[timem:s9], [sflag:s23] =	dma.local [hbm:s7], s21  }
0xa0: {  	_ =	swait.ge [sflag:s23], s21  }
0xa1: {  	s6 =	ssub.s32 $0x0, s21;
	[sflag:s23] =	ssyncset.done $0x0  }
0xa2: {  	[sflag:s23] =	ssyncadd.s32 s6;
	_ =	sdelay $0x1  }
0xa3: {  	s24 =	simm.s32 $0x1B8B  }
0xa4: {  	_ =	swait.ge [sflag:s24], $0x1  }
0xa5: {  	[sflag:s24] =	ssyncset.done $0x0  }
0xa6: {  	s25 =	simm.s32 $0x1B8E;
	[sflag:s24] =	ssyncadd.s32 $0xFFFFFFFF  }
0xa7: {  	s26 =	simm.s32 $execute0_lowered;
	[smem:$0x3FD2] =	sst s25  }
0xa8: {  	s6 =	sshll.u32 s26, $0x1;
	_ =	strace $0x80000046;
	[dreg:$0x1] =	wrdreg $0xFFFFFFFF  }
0xa9: {  	s28 =	simm.s32 $_size_execute0_lowered;
	s5 =	sadd.s32 s5, s6;
	[dreg:$0x0] =	wrdreg $0x0  }
0xaa: {  	s6 =	sshll.u32 s28, $0x1;
	[dreg:$0x2] =	wrdreg s5  }
0xab: {  	[dreg:$0x3] =	wrdreg s6  }
0xac: {  	[dreg:$0x4] =	wrdreg $0xC0  }
0xad: {  	_ =	task [dreg:s9], $0x5FFFF  }
0xae: {  	[dreg:$0x1] =	wrdreg $0xFFFFFFFF  }
0xaf: {  	[dreg:$0x0] =	wrdreg $0x60  }
0xb0: {  	[dreg:$0x2] =	wrdreg s2  }
0xb1: {  	[dreg:$0x3] =	wrdreg s19  }
0xb2: {  	[dreg:$0x4] =	wrdreg s4  }
0xb3: {  	[dreg:$0x5] =	wrdreg $0x9  }
0xb4: {  	_ =	task.clear_ibuf [dreg:s9], $0x6FFFF;
	_ =	strace $0x90000046  }
0xb5: {  	s29 =	simm.s32 $0x9;
	_ =	strace $0x80000048  }
0xb6: {  	_ =	swait.ge [sflag:s29], $0x1  }
0xb7: {  	[sflag:s29] =	ssyncadd.s32 $0xFFFFFFFF  }
0xb8: {  	_ =	strace $0x90000048  }
0xb9: {  	_ =	sfence  }
0xba: {  	s30 =	sld [smem:$0x0];
	_ =	sdelay $0x2  }
0xbb: {  	s31 =	sshll.u32 s1, $0xD;
	s1 =	sshrl.u32 s1, $0x2  }
0xbc: {  	s3 =	sand.u32 $0x4000, s31;
	s1 =	sadd.s32 s1, s30  }
0xbd: {  	s0 =	sor.u32 s3, s0;
	s1 =	sshll.u32 s1, $0x11  }
0xbe: {  	s0 =	sor.u32 s1, s0  }
0xbf: {  	s0 =	sadd.s32 $0x8F2B, s0  }
0xc0: {  	[sflag:s0] =	ssyncadd.remote.s32 $0x1  }
0xc1: {  	_ =	sfence.sel $0xFFFF  }
0xc2: {  	[dreg:$0x0] =	wrdreg $0xFFFFFFFF;
	(pc) =	sbr.abs _section_cstart, $3  }
0xc3: {  	[dreg:$0x1] =	wrdreg $0xFFFFFFFF  }
0xc4: {  	_ =	task.clear_ibuf [dreg:s9], $0x2FFFF;
	_ =	strace $0x9FFFFFFF  }
0xc5: {  	(tm) =	ssettm $0x7FFFFFFF  }
tec
execute0_lowered:
.L_overlay_start_1:
0x0: {  	(tag) =	ssettag $0x1  }
0x1: {  	s0 =	rddreg [dreg:$0x0]  }
0x2: {  	s1 =	rddreg [dreg:$0x1]  }
0x3: {  	s3 =	srdreg.scid;
	s5 =	stileid.u32  }
0x4: {  	s2 =	rddreg [dreg:$0x2];
	s26 =	simm.s32 $0x80;
	s11 =	simm.s32 $0x1  }
0x5: {  	s9 =	simm.s32 $0x100;
	s28 =	simm.s32 $0x3900;
	s29 =	simm.s32 $0x4100  }
0x6: {  	s30 =	simm.s32 $0x4900;
	s31 =	simm.s32 $0x5100;
	s12 =	simm.s32 $0x7100  }
0x7: {  	s13 =	simm.s32 $0x7900;
	s14 =	simm.s32 $0x8100;
	s15 =	simm.s32 $0x8900  }
0x8: {  	s16 =	simm.s32 $0x9100;
	s17 =	simm.s32 $0x9900;
	s18 =	simm.s32 $0xA100  }
0x9: {  	s19 =	simm.s32 $0xA900;
	s20 =	simm.s32 $0xB100;
	s10 =	simm.s32 $0xB900  }
0xa: {  	s4 =	sand.u32 $0x1, s3;
	s5 =	sshll.u32 s5, $0x1;
	s3 =	simm.s32 $0x0  }
0xb: {  	s7 =	sadd.s32 $0x300, s2;
	s5 =	sor.u32 s4, s5;
	[smem:$0x7FF] =	sst s3  }
0xc: {  	s23 =	ssub.s32 $0x2, s4;
	s4 =	simm.s32 $0x6900;
	s6 =	sshll.u32 s5, $0x5  }
0xd: {  	_ =	strace $0x80000047;
	s5 =	sshll.u32 s5, $0xD;
	s25 =	sshrl.u32 s23, $0x1  }
0xe: {  	[dreg:$0x6] =	wrdreg s26;
	s26 =	simm.s32 $0x3100;
	s6 =	sadd.s32 s1, s6  }
0xf: {  	s0 =	sadd.s32 s0, s5;
	s1 =	ssub.s32 s23, s25;
	s5 =	sadd.s32 $0x100, s2  }
0x10: {  	v2 =	vlaneseq.u32;
	s23 =	simm.s32 $0x1900;
	s25 =	simm.s32 $0x2900;
	[dreg:$0x7] =	wrdreg s6  }
0x11: {  	vm0 =	vmmov $0xffff;
	v1 =	vshrl.u32 v2, $0x3;
	s24 =	sadd.s32 $0x10, s6;
	[dreg:$0x5] =	wrdreg s0;
	s6 =	sadd.s32 $0x200, s2  }
0x12: {  	v0 =	vand.u32 $0x7, v2;
	v2 =	vor.u32 $0x8, v2;
	v1 =	vmul.u32 $0x8, v1;
	s8 =	smax.u32 s1, $0x1;
	[dreg:$0x4] =	wrdreg s24;
	s24 =	simm.s32 $0x2100  }
.LBB2_1:
0x13: {  	s21 =	rddreg [dreg:$0x7];
	s0 =	simm.s32 $0x2  }
0x14: {  	[tilespmem:s3], [sflag:$0x2] =	stream.linear.gather [hbm4b:s21+s3], $0x80, $0x38;
	[tilespmem:$0x10100] =	vst v63  }
0x15: {  	_ =	swait.ge [sflag:s0], $0x80  }
0x16: {  	s1 =	rddreg [dreg:$0x4];
	[sflag:s0] =	ssyncset.done $0x0  }
0x17: {  	s22 =	rddreg [dreg:$0x6];
	[sflag:s0] =	ssyncadd.s32 $0xFFFFFF80  }
0x18: {  	[tilespmem:s22], [sflag:$0x2] =	stream.linear.gather [hbm4b:s1+s3], $0x80, $0x38;
	[tilespmem:$0x10100] =	vst v63  }
0x19: {  	_ =	swait.ge [sflag:s0], $0x80  }
0x1a: {  	[sflag:s0] =	ssyncset.done $0x0  }
0x1b: {  	s1 =	rddreg [dreg:$0x5];
	[sflag:s0] =	ssyncadd.s32 $0xFFFFFF80  }
0x1c: {  	[tilespmem:s9], [sflag:$0x1] =	stream.linear.gather [hbm4b:s1+s3], $0x10000, $0x38;
	[tilespmem:$0x10100] =	vst v63  }
0x1d: {  	_ =	swait.ge [sflag:s11], $0x10000  }
0x1e: {  	[sflag:s11] =	ssyncset.done $0x0  }
0x1f: {  	[sflag:s11] =	ssyncadd.s32 $0xFFFF0000  }
0x20: {  	v3 =	vld [tilespmem:$0x0];
	_ =	sdelay $0x4  }
0x21: {  	v4 =	vshll.u32 v3, $0x3  }
0x22: {  	v3 =	vand.u32 $0x7, v3;
	v4 =	vand.u32 $0xFFFFFFC0, v4  }
0x23: {  	v3 =	vor.u32 v3, v4  }
0x24: {  	v4 =	vperm.xlane v3, v0;
	_ =	sdelay $0x1  }
0x25: {  	v4 =	vadd.s32 v1, v4;
	_ =	sdelay $0x4  }
0x26: {  	[hbm4b:s2+s3] =	stream.indirect_vreg.scatter [tilespmem:s9], [sflag:$0x1], $0x80, v4, vm0, $0xb8;
	[tilespmem:$0x10100] =	vst v63  }
0x27: {  	s21 =	simm.s32 $0x900;
	v3 =	vperm.xlane v3, v2  }
0x28: {  	[hbm4b:s5+s3] =	stream.indirect_vreg.scatter [tilespmem:s21], [sflag:$0x1], $0x80, v4, vm0, $0xb8;
	[tilespmem:$0x10100] =	vst v63  }
0x29: {  	s22 =	simm.s32 $0x1100;
	v3 =	vadd.s32 v1, v3  }
0x2a: {  	[hbm4b:s6+s3] =	stream.indirect_vreg.scatter [tilespmem:s22], [sflag:$0x1], $0x80, v4, vm0, $0xb8;
	[tilespmem:$0x10100] =	vst v63  }
0x2b: {  	_ = 	snop  }
0x2c: {  	[hbm4b:s7+s3] =	stream.indirect_vreg.scatter [tilespmem:s23], [sflag:$0x1], $0x80, v4, vm0, $0xb8;
	[tilespmem:$0x10100] =	vst v63  }
0x2d: {  	_ = 	snop  }
0x2e: {  	[hbm4b:s2+s3] =	stream.indirect_vreg.scatter [tilespmem:s24], [sflag:$0x1], $0x80, v3, vm0, $0xb8;
	[tilespmem:$0x10100] =	vst v63  }
0x2f: {  	_ = 	snop  }
0x30: {  	[hbm4b:s5+s3] =	stream.indirect_vreg.scatter [tilespmem:s25], [sflag:$0x1], $0x80, v3, vm0, $0xb8;
	[tilespmem:$0x10100] =	vst v63  }
0x31: {  	_ = 	snop  }
0x32: {  	[hbm4b:s6+s3] =	stream.indirect_vreg.scatter [tilespmem:s26], [sflag:$0x1], $0x80, v3, vm0, $0xb8;
	[tilespmem:$0x10100] =	vst v63  }
0x33: {  	_ = 	snop  }
0x34: {  	[hbm4b:s7+s3] =	stream.indirect_vreg.scatter [tilespmem:s28], [sflag:$0x1], $0x80, v3, vm0, $0xb8;
	[tilespmem:$0x10100] =	vst v63  }
0x35: {  	v3 =	vld [tilespmem:$0x10];
	_ =	sdelay $0x4  }
0x36: {  	v57 =	vshll.u32 v3, $0x3  }
0x37: {  	v3 =	vand.u32 $0x7, v3;
	v4 =	vand.u32 $0xFFFFFFC0, v57  }
0x38: {  	v3 =	vor.u32 v3, v4  }
0x39: {  	v4 =	vperm.xlane v3, v0;
	_ =	sdelay $0x1  }
0x3a: {  	v4 =	vadd.s32 v1, v4;
	_ =	sdelay $0x4  }
0x3b: {  	[hbm4b:s2+s3] =	stream.indirect_vreg.scatter [tilespmem:s29], [sflag:$0x1], $0x80, v4, vm0, $0xb8;
	[tilespmem:$0x10100] =	vst v63  }
0x3c: {  	v3 =	vperm.xlane v3, v2  }
0x3d: {  	[hbm4b:s5+s3] =	stream.indirect_vreg.scatter [tilespmem:s30], [sflag:$0x1], $0x80, v4, vm0, $0xb8;
	[tilespmem:$0x10100] =	vst v63  }
0x3e: {  	v3 =	vadd.s32 v1, v3  }
0x3f: {  	[hbm4b:s6+s3] =	stream.indirect_vreg.scatter [tilespmem:s31], [sflag:$0x1], $0x80, v4, vm0, $0xb8;
	[tilespmem:$0x10100] =	vst v63  }
0x40: {  	s1 =	simm.s32 $0x5900  }
0x41: {  	[hbm4b:s7+s3] =	stream.indirect_vreg.scatter [tilespmem:s1], [sflag:$0x1], $0x80, v4, vm0, $0xb8;
	[tilespmem:$0x10100] =	vst v63  }
0x42: {  	s0 =	simm.s32 $0x6100  }
0x43: {  	[hbm4b:s2+s3] =	stream.indirect_vreg.scatter [tilespmem:s0], [sflag:$0x1], $0x80, v3, vm0, $0xb8;
	[tilespmem:$0x10100] =	vst v63  }
0x44: {  	_ = 	snop  }
0x45: {  	[hbm4b:s5+s3] =	stream.indirect_vreg.scatter [tilespmem:s4], [sflag:$0x1], $0x80, v3, vm0, $0xb8;
	[tilespmem:$0x10100] =	vst v63  }
0x46: {  	_ = 	snop  }
0x47: {  	[hbm4b:s6+s3] =	stream.indirect_vreg.scatter [tilespmem:s12], [sflag:$0x1], $0x80, v3, vm0, $0xb8;
	[tilespmem:$0x10100] =	vst v63  }
0x48: {  	_ = 	snop  }
0x49: {  	[hbm4b:s7+s3] =	stream.indirect_vreg.scatter [tilespmem:s13], [sflag:$0x1], $0x80, v3, vm0, $0xb8;
	[tilespmem:$0x10100] =	vst v63  }
0x4a: {  	v3 =	vld [tilespmem:$0x20];
	_ =	sdelay $0x4  }
0x4b: {  	v58 =	vshll.u32 v3, $0x3  }
0x4c: {  	v3 =	vand.u32 $0x7, v3;
	v4 =	vand.u32 $0xFFFFFFC0, v58  }
0x4d: {  	v3 =	vor.u32 v3, v4  }
0x4e: {  	v4 =	vperm.xlane v3, v0;
	_ =	sdelay $0x1  }
0x4f: {  	v4 =	vadd.s32 v1, v4;
	_ =	sdelay $0x4  }
0x50: {  	[hbm4b:s2+s3] =	stream.indirect_vreg.scatter [tilespmem:s14], [sflag:$0x1], $0x80, v4, vm0, $0xb8;
	[tilespmem:$0x10100] =	vst v63  }
0x51: {  	v3 =	vperm.xlane v3, v2  }
0x52: {  	[hbm4b:s5+s3] =	stream.indirect_vreg.scatter [tilespmem:s15], [sflag:$0x1], $0x80, v4, vm0, $0xb8;
	[tilespmem:$0x10100] =	vst v63  }
0x53: {  	v3 =	vadd.s32 v1, v3  }
0x54: {  	[hbm4b:s6+s3] =	stream.indirect_vreg.scatter [tilespmem:s16], [sflag:$0x1], $0x80, v4, vm0, $0xb8;
	[tilespmem:$0x10100] =	vst v63  }
0x55: {  	_ = 	snop  }
0x56: {  	[hbm4b:s7+s3] =	stream.indirect_vreg.scatter [tilespmem:s17], [sflag:$0x1], $0x80, v4, vm0, $0xb8;
	[tilespmem:$0x10100] =	vst v63  }
0x57: {  	_ = 	snop  }
0x58: {  	[hbm4b:s2+s3] =	stream.indirect_vreg.scatter [tilespmem:s18], [sflag:$0x1], $0x80, v3, vm0, $0xb8;
	[tilespmem:$0x10100] =	vst v63  }
0x59: {  	_ = 	snop  }
0x5a: {  	[hbm4b:s5+s3] =	stream.indirect_vreg.scatter [tilespmem:s19], [sflag:$0x1], $0x80, v3, vm0, $0xb8;
	[tilespmem:$0x10100] =	vst v63  }
0x5b: {  	_ = 	snop  }
0x5c: {  	[hbm4b:s6+s3] =	stream.indirect_vreg.scatter [tilespmem:s20], [sflag:$0x1], $0x80, v3, vm0, $0xb8;
	[tilespmem:$0x10100] =	vst v63  }
0x5d: {  	_ = 	snop  }
0x5e: {  	[hbm4b:s7+s3] =	stream.indirect_vreg.scatter [tilespmem:s10], [sflag:$0x1], $0x80, v3, vm0, $0xb8;
	[tilespmem:$0x10100] =	vst v63  }
0x5f: {  	v3 =	vld [tilespmem:$0x30];
	_ =	sdelay $0x4  }
0x60: {  	v59 =	vshll.u32 v3, $0x3  }
0x61: {  	v3 =	vand.u32 $0x7, v3;
	v4 =	vand.u32 $0xFFFFFFC0, v59  }
0x62: {  	v3 =	vor.u32 v3, v4  }
0x63: {  	v4 =	vperm.xlane v3, v0;
	_ =	sdelay $0x1  }
0x64: {  	v4 =	vadd.s32 v1, v4;
	_ =	sdelay $0x3  }
0x65: {  	s0 =	simm.s32 $0xC100  }
0x66: {  	[hbm4b:s2+s3] =	stream.indirect_vreg.scatter [tilespmem:s0], [sflag:$0x1], $0x80, v4, vm0, $0xb8;
	[tilespmem:$0x10100] =	vst v63  }
0x67: {  	v3 =	vperm.xlane v3, v2;
	s0 =	simm.s32 $0xC900  }
0x68: {  	[hbm4b:s5+s3] =	stream.indirect_vreg.scatter [tilespmem:s0], [sflag:$0x1], $0x80, v4, vm0, $0xb8;
	[tilespmem:$0x10100] =	vst v63  }
0x69: {  	v3 =	vadd.s32 v1, v3;
	s0 =	simm.s32 $0xD100  }
0x6a: {  	[hbm4b:s6+s3] =	stream.indirect_vreg.scatter [tilespmem:s0], [sflag:$0x1], $0x80, v4, vm0, $0xb8;
	[tilespmem:$0x10100] =	vst v63  }
0x6b: {  	s0 =	simm.s32 $0xD900  }
0x6c: {  	[hbm4b:s7+s3] =	stream.indirect_vreg.scatter [tilespmem:s0], [sflag:$0x1], $0x80, v4, vm0, $0xb8;
	[tilespmem:$0x10100] =	vst v63  }
0x6d: {  	s0 =	simm.s32 $0xE100  }
0x6e: {  	[hbm4b:s2+s3] =	stream.indirect_vreg.scatter [tilespmem:s0], [sflag:$0x1], $0x80, v3, vm0, $0xb8;
	[tilespmem:$0x10100] =	vst v63  }
0x6f: {  	s0 =	simm.s32 $0xE900  }
0x70: {  	[hbm4b:s5+s3] =	stream.indirect_vreg.scatter [tilespmem:s0], [sflag:$0x1], $0x80, v3, vm0, $0xb8;
	[tilespmem:$0x10100] =	vst v63  }
0x71: {  	s0 =	simm.s32 $0xF100  }
0x72: {  	[hbm4b:s6+s3] =	stream.indirect_vreg.scatter [tilespmem:s0], [sflag:$0x1], $0x80, v3, vm0, $0xb8;
	[tilespmem:$0x10100] =	vst v63  }
0x73: {  	s0 =	simm.s32 $0xF900  }
0x74: {  	[hbm4b:s7+s3] =	stream.indirect_vreg.scatter [tilespmem:s0], [sflag:$0x1], $0x80, v3, vm0, $0xb8;
	[tilespmem:$0x10100] =	vst v63  }
0x75: {  	_ =	swait.ge [sflag:s11], $0x10000  }
0x76: {  	[sflag:s11] =	ssyncset.done $0x0  }
0x77: {  	[sflag:s11] =	ssyncadd.s32 $0xFFFF0000  }
0x78: {  	v3 =	vld [tilespmem:$0x80];
	_ =	sdelay $0x4  }
0x79: {  	v60 =	vshll.u32 v3, $0x3  }
0x7a: {  	v3 =	vand.u32 $0x7, v3;
	v4 =	vand.u32 $0xFFFFFFC0, v60  }
0x7b: {  	v3 =	vor.u32 v3, v4  }
0x7c: {  	v4 =	vperm.xlane v3, v0;
	_ =	sdelay $0x1  }
0x7d: {  	v4 =	vadd.s32 v1, v4;
	_ =	sdelay $0x4  }
0x7e: {  	[hbm4b:s2+s3] =	stream.indirect_vreg.scatter [tilespmem:s9], [sflag:$0x1], $0x80, v4, vm0, $0xb8;
	[tilespmem:$0x10100] =	vst v63  }
0x7f: {  	v3 =	vperm.xlane v3, v2  }
0x80: {  	[hbm4b:s5+s3] =	stream.indirect_vreg.scatter [tilespmem:s21], [sflag:$0x1], $0x80, v4, vm0, $0xb8;
	[tilespmem:$0x10100] =	vst v63  }
0x81: {  	v3 =	vadd.s32 v1, v3  }
0x82: {  	[hbm4b:s6+s3] =	stream.indirect_vreg.scatter [tilespmem:s22], [sflag:$0x1], $0x80, v4, vm0, $0xb8;
	[tilespmem:$0x10100] =	vst v63  }
0x83: {  	_ = 	snop  }
0x84: {  	[hbm4b:s7+s3] =	stream.indirect_vreg.scatter [tilespmem:s23], [sflag:$0x1], $0x80, v4, vm0, $0xb8;
	[tilespmem:$0x10100] =	vst v63  }
0x85: {  	_ = 	snop  }
0x86: {  	[hbm4b:s2+s3] =	stream.indirect_vreg.scatter [tilespmem:s24], [sflag:$0x1], $0x80, v3, vm0, $0xb8;
	[tilespmem:$0x10100] =	vst v63  }
0x87: {  	_ = 	snop  }
0x88: {  	[hbm4b:s5+s3] =	stream.indirect_vreg.scatter [tilespmem:s25], [sflag:$0x1], $0x80, v3, vm0, $0xb8;
	[tilespmem:$0x10100] =	vst v63  }
0x89: {  	_ = 	snop  }
0x8a: {  	[hbm4b:s6+s3] =	stream.indirect_vreg.scatter [tilespmem:s26], [sflag:$0x1], $0x80, v3, vm0, $0xb8;
	[tilespmem:$0x10100] =	vst v63  }
0x8b: {  	_ = 	snop  }
0x8c: {  	[hbm4b:s7+s3] =	stream.indirect_vreg.scatter [tilespmem:s28], [sflag:$0x1], $0x80, v3, vm0, $0xb8;
	[tilespmem:$0x10100] =	vst v63  }
0x8d: {  	v3 =	vld [tilespmem:$0x90];
	_ =	sdelay $0x4  }
0x8e: {  	v61 =	vshll.u32 v3, $0x3  }
0x8f: {  	v3 =	vand.u32 $0x7, v3;
	v4 =	vand.u32 $0xFFFFFFC0, v61  }
0x90: {  	v3 =	vor.u32 v3, v4  }
0x91: {  	v4 =	vperm.xlane v3, v0;
	_ =	sdelay $0x1  }
0x92: {  	v4 =	vadd.s32 v1, v4;
	_ =	sdelay $0x4  }
0x93: {  	[hbm4b:s2+s3] =	stream.indirect_vreg.scatter [tilespmem:s29], [sflag:$0x1], $0x80, v4, vm0, $0xb8;
	[tilespmem:$0x10100] =	vst v63  }
0x94: {  	v3 =	vperm.xlane v3, v2  }
0x95: {  	[hbm4b:s5+s3] =	stream.indirect_vreg.scatter [tilespmem:s30], [sflag:$0x1], $0x80, v4, vm0, $0xb8;
	[tilespmem:$0x10100] =	vst v63  }
0x96: {  	v3 =	vadd.s32 v1, v3  }
0x97: {  	[hbm4b:s6+s3] =	stream.indirect_vreg.scatter [tilespmem:s31], [sflag:$0x1], $0x80, v4, vm0, $0xb8;
	[tilespmem:$0x10100] =	vst v63  }
0x98: {  	_ = 	snop  }
0x99: {  	[hbm4b:s7+s3] =	stream.indirect_vreg.scatter [tilespmem:s1], [sflag:$0x1], $0x80, v4, vm0, $0xb8;
	[tilespmem:$0x10100] =	vst v63  }
0x9a: {  	s21 =	simm.s32 $0x6100  }
0x9b: {  	[hbm4b:s2+s3] =	stream.indirect_vreg.scatter [tilespmem:s21], [sflag:$0x1], $0x80, v3, vm0, $0xb8;
	[tilespmem:$0x10100] =	vst v63  }
0x9c: {  	_ = 	snop  }
0x9d: {  	[hbm4b:s5+s3] =	stream.indirect_vreg.scatter [tilespmem:s4], [sflag:$0x1], $0x80, v3, vm0, $0xb8;
	[tilespmem:$0x10100] =	vst v63  }
0x9e: {  	_ = 	snop  }
0x9f: {  	[hbm4b:s6+s3] =	stream.indirect_vreg.scatter [tilespmem:s12], [sflag:$0x1], $0x80, v3, vm0, $0xb8;
	[tilespmem:$0x10100] =	vst v63  }
0xa0: {  	_ = 	snop  }
0xa1: {  	[hbm4b:s7+s3] =	stream.indirect_vreg.scatter [tilespmem:s13], [sflag:$0x1], $0x80, v3, vm0, $0xb8;
	[tilespmem:$0x10100] =	vst v63  }
0xa2: {  	v3 =	vld [tilespmem:$0xA0];
	_ =	sdelay $0x4  }
0xa3: {  	v62 =	vshll.u32 v3, $0x3  }
0xa4: {  	v3 =	vand.u32 $0x7, v3;
	v4 =	vand.u32 $0xFFFFFFC0, v62  }
0xa5: {  	v3 =	vor.u32 v3, v4  }
0xa6: {  	v4 =	vperm.xlane v3, v0;
	_ =	sdelay $0x1  }
0xa7: {  	v4 =	vadd.s32 v1, v4;
	_ =	sdelay $0x4  }
0xa8: {  	[hbm4b:s2+s3] =	stream.indirect_vreg.scatter [tilespmem:s14], [sflag:$0x1], $0x80, v4, vm0, $0xb8;
	[tilespmem:$0x10100] =	vst v63  }
0xa9: {  	v3 =	vperm.xlane v3, v2  }
0xaa: {  	[hbm4b:s5+s3] =	stream.indirect_vreg.scatter [tilespmem:s15], [sflag:$0x1], $0x80, v4, vm0, $0xb8;
	[tilespmem:$0x10100] =	vst v63  }
0xab: {  	v3 =	vadd.s32 v1, v3  }
0xac: {  	[hbm4b:s6+s3] =	stream.indirect_vreg.scatter [tilespmem:s16], [sflag:$0x1], $0x80, v4, vm0, $0xb8;
	[tilespmem:$0x10100] =	vst v63  }
0xad: {  	_ = 	snop  }
0xae: {  	[hbm4b:s7+s3] =	stream.indirect_vreg.scatter [tilespmem:s17], [sflag:$0x1], $0x80, v4, vm0, $0xb8;
	[tilespmem:$0x10100] =	vst v63  }
0xaf: {  	_ = 	snop  }
0xb0: {  	[hbm4b:s2+s3] =	stream.indirect_vreg.scatter [tilespmem:s18], [sflag:$0x1], $0x80, v3, vm0, $0xb8;
	[tilespmem:$0x10100] =	vst v63  }
0xb1: {  	_ = 	snop  }
0xb2: {  	[hbm4b:s5+s3] =	stream.indirect_vreg.scatter [tilespmem:s19], [sflag:$0x1], $0x80, v3, vm0, $0xb8;
	[tilespmem:$0x10100] =	vst v63  }
0xb3: {  	_ = 	snop  }
0xb4: {  	[hbm4b:s6+s3] =	stream.indirect_vreg.scatter [tilespmem:s20], [sflag:$0x1], $0x80, v3, vm0, $0xb8;
	[tilespmem:$0x10100] =	vst v63  }
0xb5: {  	_ = 	snop  }
0xb6: {  	[hbm4b:s7+s3] =	stream.indirect_vreg.scatter [tilespmem:s10], [sflag:$0x1], $0x80, v3, vm0, $0xb8;
	[tilespmem:$0x10100] =	vst v63  }
0xb7: {  	v3 =	vld [tilespmem:$0xB0];
	_ =	sdelay $0x4  }
0xb8: {  	v63 =	vshll.u32 v3, $0x3  }
0xb9: {  	v3 =	vand.u32 $0x7, v3;
	v4 =	vand.u32 $0xFFFFFFC0, v63  }
0xba: {  	v3 =	vor.u32 v3, v4  }
0xbb: {  	v4 =	vperm.xlane v3, v0;
	_ =	sdelay $0x1  }
0xbc: {  	v4 =	vadd.s32 v1, v4;
	_ =	sdelay $0x3  }
0xbd: {  	s22 =	simm.s32 $0xC100  }
0xbe: {  	[hbm4b:s2+s3] =	stream.indirect_vreg.scatter [tilespmem:s22], [sflag:$0x1], $0x80, v4, vm0, $0xb8;
	[tilespmem:$0x10100] =	vst v63  }
0xbf: {  	s21 =	simm.s32 $0xC900;
	v3 =	vperm.xlane v3, v2  }
0xc0: {  	[hbm4b:s5+s3] =	stream.indirect_vreg.scatter [tilespmem:s21], [sflag:$0x1], $0x80, v4, vm0, $0xb8;
	[tilespmem:$0x10100] =	vst v63  }
0xc1: {  	v3 =	vadd.s32 v1, v3;
	s22 =	simm.s32 $0xD100  }
0xc2: {  	[hbm4b:s6+s3] =	stream.indirect_vreg.scatter [tilespmem:s22], [sflag:$0x1], $0x80, v4, vm0, $0xb8;
	[tilespmem:$0x10100] =	vst v63  }
0xc3: {  	s21 =	simm.s32 $0xD900  }
0xc4: {  	[hbm4b:s7+s3] =	stream.indirect_vreg.scatter [tilespmem:s21], [sflag:$0x1], $0x80, v4, vm0, $0xb8;
	[tilespmem:$0x10100] =	vst v63  }
0xc5: {  	s22 =	simm.s32 $0xE100  }
0xc6: {  	[hbm4b:s2+s3] =	stream.indirect_vreg.scatter [tilespmem:s22], [sflag:$0x1], $0x80, v3, vm0, $0xb8;
	[tilespmem:$0x10100] =	vst v63  }
0xc7: {  	s21 =	simm.s32 $0xE900  }
0xc8: {  	[hbm4b:s5+s3] =	stream.indirect_vreg.scatter [tilespmem:s21], [sflag:$0x1], $0x80, v3, vm0, $0xb8;
	[tilespmem:$0x10100] =	vst v63  }
0xc9: {  	p0 =	sne.s32 s8, $0x1;
	s22 =	simm.s32 $0xF100  }
0xca: {  	[hbm4b:s6+s3] =	stream.indirect_vreg.scatter [tilespmem:s22], [sflag:$0x1], $0x80, v3, vm0, $0xb8;
	[tilespmem:$0x10100] =	vst v63  }
.Ltmp0:
0xcb: {  	_ = 	snop;
	(pc) =	sbr.rel @p0 .LBB2_1-.Ltmp0, $4  }
0xcc: {  	[hbm4b:s7+s3] =	stream.indirect_vreg.scatter [tilespmem:s0], [sflag:$0x1], $0x80, v3, vm0, $0xb8;
	[tilespmem:$0x10100] =	vst v63  }
0xcd: {  	_ =	swait.ge [sflag:s11], $0x10000  }
0xce: {  	[sflag:s11] =	ssyncset.done $0x0  }
0xcf: {  	s8 =	sadd.s32 $0xFFFFFFFF, s8;
	[sflag:s11] =	ssyncadd.s32 $0xFFFF0000  }
0xd0: {  	_ =	sfence.sel $0x180000  }
0xd1: {  	[bflag:$0x0] =	sbarrier.arrive $0xFFFF  }
0xd2: {  	_ =	strace $0x90000047  }
0xd3: {  	s0 =	stileid.u32;
	[bflag:$0x2] =	sbarrier.arrive $0xFFFF  }
0xd4: {  	p0 =	sne.s32 s0, $0x0;
	s0 =	rddreg [dreg:$0x3]  }
0xd5: {  	s0 =	sadd.s32 @!p0 $0x100000, s0  }
0xd6: {  	[sflag:s0] =	ssyncadd.tile.s32 @!p0 $0x1;
	_ =	shalt  }
.Lfunc_end2:
_tile_overlayer_lowered:
.L_overlay_start_2:
0xd7: {  	(tag) =	ssettag $0x2  }
0xd8: {  	s0 =	rddreg [dreg:$0x0];
	s2 =	stileid.u32  }
0xd9: {  	s1 =	rddreg [dreg:$0x1];
	p0 =	sne.s32 s2, $0x0  }
0xda: {  	s3 =	rddreg [dreg:$0x2];
	[bflag:$0x3] =	sbarrier.arrive $0xFFFF;
	s2 =	simm.s32 @!p0 $0x1C02  }
0xdb: {  	[timem:s3], [sflag:s2] =	dma.local @!p0 [hbm:s0], s1  }
0xdc: {  	s0 =	simm.s32 @!p0 $0x2  }
0xdd: {  	_ =	swait.ge @!p0 [sflag:s0], s1  }
0xde: {  	s1 =	ssub.s32 @!p0 $0x0, s1;
	[sflag:s0] =	ssyncset.done @!p0 $0x0  }
0xdf: {  	[sflag:s0] =	ssyncadd.s32 @!p0 s1  }
0xe0: {  	[bflag:$0x3] =	sbarrier.arrive $0xFFFF  }
0xe1: {  	_ =	shalt  }

</sc_bundles>
